<compile_context>
chip_gen: v7x
topology: tpu7x:2x2x1
jax: 0.10.2.dev20260603
libtpu: 0.0.44.dev20260713+nightly
codegen_flags: <defaults>
</compile_context>

<pallas_src>
import functools

import jax
import jax.numpy as jnp
from jax import lax
from jax.experimental import pallas as pl
from jax.experimental.pallas import tpu as pltpu
from jax.experimental.pallas import tpu_sc as plsc

DIM = 128
NC = 2
NS = 16
NW = NC * NS
CHUNK = 128
NBUF = 5


def _sc_gather(num3, pe, nchunk):
    total = NW * nchunk * CHUNK
    ngroups = nchunk // NBUF
    mesh = plsc.VectorSubcoreMesh(core_axis_name="c", subcore_axis_name="s")

    scratch = (
        [pltpu.VMEM((nchunk, CHUNK), jnp.int32)]
        + [pltpu.VMEM((CHUNK, DIM), jnp.float32) for _ in range(NBUF)]
        + [pltpu.SemaphoreType.DMA for _ in range(2 * NBUF)]
    )

    @functools.partial(
        pl.kernel,
        mesh=mesh,
        out_type=jax.ShapeDtypeStruct((total, DIM), jnp.float32),
        scratch_types=scratch,
    )
    def k(idx_hbm, pe_hbm, out_hbm, *refs):
        idx_v = refs[0]
        rows = refs[1:1 + NBUF]
        sem_g = refs[1 + NBUF:1 + 2 * NBUF]
        sem_o = refs[1 + 2 * NBUF:1 + 3 * NBUF]

        wid = lax.axis_index("s") * NC + lax.axis_index("c")
        base = wid * (nchunk * CHUNK)
        pltpu.sync_copy(idx_hbm.at[wid], idx_v)

        for b in range(NBUF):
            pltpu.async_copy(pe_hbm.at[idx_v.at[b]], rows[b], sem_g[b])

        def group(g, carry):
            for b in range(NBUF):
                j = g * NBUF + b
                pltpu.make_async_copy(
                    pe_hbm.at[pl.ds(0, CHUNK)], rows[b], sem_g[b]
                ).wait()
                pltpu.async_copy(
                    rows[b], out_hbm.at[pl.ds(base + j * CHUNK, CHUNK)],
                    sem_o[b],
                )
            @pl.when(g + 1 < ngroups)
            def _():
                for b in range(NBUF):
                    jn = (g + 1) * NBUF + b
                    pltpu.make_async_copy(
                        rows[b], out_hbm.at[pl.ds(base, CHUNK)], sem_o[b]
                    ).wait()
                    pltpu.async_copy(
                        pe_hbm.at[idx_v.at[jn]], rows[b], sem_g[b]
                    )
            return carry

        lax.fori_loop(0, ngroups, group, 0)

        for b in range(NBUF):
            pltpu.make_async_copy(
                rows[b], out_hbm.at[pl.ds(base, CHUNK)], sem_o[b]
            ).wait()

        for j in range(ngroups * NBUF, nchunk):
            pltpu.async_copy(pe_hbm.at[idx_v.at[j]], rows[0], sem_g[0]).wait()
            pltpu.sync_copy(rows[0], out_hbm.at[pl.ds(base + j * CHUNK, CHUNK)])

    return k(num3, pe)


def kernel(num, pe):
    batch, hist = num.shape
    total = batch * hist
    nchunk = total // (NW * CHUNK)
    num3 = num.reshape(NW, nchunk, CHUNK).astype(jnp.int32)
    out = _sc_gather(num3, pe, nchunk)
    return out.reshape(batch, hist, DIM)

# --- scband reference (transcript-rebuilt; emitter-appended) ---
"""Pipeline reference for scband-numeric-encoding-5987184411176 (READ-ONLY COPY).

The authoritative reference and input builder live on the scoring server;
editing this copy changes nothing except your own understanding.
"""

import jax, jax.numpy as jnp
import numpy as np
import math

C = 10000.0
DIM = 128
N_MAX = 10000
BATCH = 4096
HIST = 200

def _build_pe():
    args = jnp.exp(-math.log(C) * jnp.arange(0, DIM, 2, dtype=jnp.float32) / DIM)
    args = jnp.arange(N_MAX, dtype=jnp.float32)[:, None] * args[None, :]
    pe = jnp.zeros((N_MAX, DIM), dtype=jnp.float32)
    pe = pe.at[:, ::2].set(jnp.sin(args))
    pe = pe.at[:, 1::2].set(jnp.cos(args))
    return pe

def setup_inputs(seed: int = 0) -> dict:
    key = jax.random.key(seed)
    num = jax.random.randint(key, (BATCH, HIST), 0, N_MAX, dtype=jnp.int64 if jax.config.jax_enable_x64 else jnp.int32)
    pe = _build_pe()
    return {"num": num, "pe": pe}

def reference(num, pe):
    # Faithful translation of: return self.pe[num.long()]
    return jnp.take(pe, num.astype(jnp.int32), axis=0)

if __name__ == "__main__":
    import jax
    _d = setup_inputs()
    print(jax.jit(kernel)(*tuple(_d.values())))

</pallas_src>

<mosaic_0001>
#map = affine_map<(d0, d1) -> (0, 0, 0)>
#map1 = affine_map<(d0, d1) -> (0, 0)>
module attributes {stable_mosaic.version = 14 : i64} {
  func.func @k(%arg0: i32, %arg1: i32, %arg2: memref<32x200x128xi32, #tpu.memory_space<hbm>>, %arg3: memref<10000x128xf32, #tpu.memory_space<hbm>>, %arg4: memref<819200x128xf32, #tpu.memory_space<hbm>>, %arg5: memref<200x128xi32, #tpu.memory_space<vmem>>, %arg6: memref<128x128xf32, #tpu.memory_space<vmem>>, %arg7: memref<128x128xf32, #tpu.memory_space<vmem>>, %arg8: memref<128x128xf32, #tpu.memory_space<vmem>>, %arg9: memref<128x128xf32, #tpu.memory_space<vmem>>, %arg10: memref<128x128xf32, #tpu.memory_space<vmem>>, %arg11: memref<!tpu.dma_semaphore, #tpu.memory_space<semaphore_mem>>, %arg12: memref<!tpu.dma_semaphore, #tpu.memory_space<semaphore_mem>>, %arg13: memref<!tpu.dma_semaphore, #tpu.memory_space<semaphore_mem>>, %arg14: memref<!tpu.dma_semaphore, #tpu.memory_space<semaphore_mem>>, %arg15: memref<!tpu.dma_semaphore, #tpu.memory_space<semaphore_mem>>, %arg16: memref<!tpu.dma_semaphore, #tpu.memory_space<semaphore_mem>>, %arg17: memref<!tpu.dma_semaphore, #tpu.memory_space<semaphore_mem>>, %arg18: memref<!tpu.dma_semaphore, #tpu.memory_space<semaphore_mem>>, %arg19: memref<!tpu.dma_semaphore, #tpu.memory_space<semaphore_mem>>, %arg20: memref<!tpu.dma_semaphore, #tpu.memory_space<semaphore_mem>>) attributes {dimension_semantics = [#tpu.dimension_semantics<core_parallel>, #tpu.dimension_semantics<subcore_parallel>], iteration_bounds = array<i64: 2, 16>, scalar_prefetch = 0 : i64, scratch_operands = 16 : i64, tpu.core_type = #tpu.core_type<sc_vector_subcore>, window_params = [{transform_indices = #map}, {transform_indices = #map1}, {transform_indices = #map1}]} {
    %mul3A = arith.constant 2 : i32
    %mul3A_0 = arith.muli %arg1, %mul3A : i32
    %add3A = arith.addi %mul3A_0, %arg0 : i32
    %mul3A_1 = arith.constant 25600 : i32
    %mul3A_2 = arith.muli %add3A, %mul3A_1 : i32
    "tpu.region"() ({
      %run_scoped3A = tpu.sem_alloc : memref<!tpu.dma_semaphore, #tpu.memory_space<semaphore_mem>>
      %dma_start3A_61 = arith.constant 0 : i32
      %dma_start3A_62 = arith.constant 0 : i32
      %dma_start3A_63 = tpu.memref_slice %arg2[%add3A, %dma_start3A_61, %dma_start3A_62] : memref<32x200x128xi32, #tpu.memory_space<hbm>> -> memref<1x200x128xi32, #tpu.memory_space<hbm>>
      %dma_start3A_64 = tpu.memref_squeeze %dma_start3A_63 : memref<1x200x128xi32, #tpu.memory_space<hbm>> -> memref<200x128xi32, #tpu.memory_space<hbm>>
      %dma_start3A_65 = arith.constant 0 : i32
      %dma_start3A_66 = arith.constant 0 : i32
      %dma_start3A_67 = tpu.memref_slice %arg2[%add3A, %dma_start3A_65, %dma_start3A_66] : memref<32x200x128xi32, #tpu.memory_space<hbm>> -> memref<1x200x128xi32, #tpu.memory_space<hbm>>
      %dma_start3A_68 = tpu.memref_squeeze %dma_start3A_67 : memref<1x200x128xi32, #tpu.memory_space<hbm>> -> memref<200x128xi32, #tpu.memory_space<hbm>>
      tpu.enqueue_dma source(%dma_start3A_68 : memref<200x128xi32, #tpu.memory_space<hbm>>) target(%arg5 : memref<200x128xi32, #tpu.memory_space<vmem>>) target_semaphore(%run_scoped3A : memref<!tpu.dma_semaphore, #tpu.memory_space<semaphore_mem>>)
      %dma_wait3A_69 = arith.constant 0 : i32
      %dma_wait3A_70 = arith.constant 0 : i32
      %dma_wait3A_71 = tpu.memref_slice %arg2[%add3A, %dma_wait3A_69, %dma_wait3A_70] : memref<32x200x128xi32, #tpu.memory_space<hbm>> -> memref<1x200x128xi32, #tpu.memory_space<hbm>>
      %dma_wait3A_72 = tpu.memref_squeeze %dma_wait3A_71 : memref<1x200x128xi32, #tpu.memory_space<hbm>> -> memref<200x128xi32, #tpu.memory_space<hbm>>
      %dma_wait3A_73 = arith.constant 0 : i32
      %dma_wait3A_74 = arith.constant 0 : i32
      %dma_wait3A_75 = tpu.memref_slice %arg2[%add3A, %dma_wait3A_73, %dma_wait3A_74] : memref<32x200x128xi32, #tpu.memory_space<hbm>> -> memref<1x200x128xi32, #tpu.memory_space<hbm>>
      %dma_wait3A_76 = tpu.memref_squeeze %dma_wait3A_75 : memref<1x200x128xi32, #tpu.memory_space<hbm>> -> memref<200x128xi32, #tpu.memory_space<hbm>>
      tpu.wait_dma2 semaphore(%run_scoped3A : memref<!tpu.dma_semaphore, #tpu.memory_space<semaphore_mem>>) src(%dma_wait3A_76 : memref<200x128xi32, #tpu.memory_space<hbm>>) dst(%arg5 : memref<200x128xi32, #tpu.memory_space<vmem>>)
      tpu.yield
    }) : () -> ()
    %dma_start3A = arith.constant 0 : i32
    %dma_start3A_3 = arith.constant 0 : i32
    %dma_start3A_4 = tpu.memref_slice %arg5[%dma_start3A, %dma_start3A_3] : memref<200x128xi32, #tpu.memory_space<vmem>> -> memref<1x128xi32, #tpu.memory_space<vmem>>
    %dma_start3A_5 = tpu.memref_squeeze %dma_start3A_4 : memref<1x128xi32, #tpu.memory_space<vmem>> -> memref<128xi32, #tpu.memory_space<vmem>>
    %dma_start3A_6 = arith.constant 0 : i32
    %dma_start3A_7 = arith.constant 0 : i32
    %dma_start3A_8 = tpu.memref_slice %arg3[%dma_start3A_6, %dma_start3A_7] : memref<10000x128xf32, #tpu.memory_space<hbm>> -> memref<10000x128xf32, #tpu.memory_space<hbm>>
    tpu.enqueue_indirect_dma source(%dma_start3A_8 : memref<10000x128xf32, #tpu.memory_space<hbm>>) target(%arg6 : memref<128x128xf32, #tpu.memory_space<vmem>>) offsets(%dma_start3A_5 : memref<128xi32, #tpu.memory_space<vmem>>) semaphore(%arg11 : memref<!tpu.dma_semaphore, #tpu.memory_space<semaphore_mem>>)
    %dma_start3A_9 = arith.constant 1 : i32
    %dma_start3A_10 = arith.constant 0 : i32
    %dma_start3A_11 = tpu.memref_slice %arg5[%dma_start3A_9, %dma_start3A_10] : memref<200x128xi32, #tpu.memory_space<vmem>> -> memref<1x128xi32, #tpu.memory_space<vmem>>
    %dma_start3A_12 = tpu.memref_squeeze %dma_start3A_11 : memref<1x128xi32, #tpu.memory_space<vmem>> -> memref<128xi32, #tpu.memory_space<vmem>>
    %dma_start3A_13 = arith.constant 0 : i32
    %dma_start3A_14 = arith.constant 0 : i32
    %dma_start3A_15 = tpu.memref_slice %arg3[%dma_start3A_13, %dma_start3A_14] : memref<10000x128xf32, #tpu.memory_space<hbm>> -> memref<10000x128xf32, #tpu.memory_space<hbm>>
    tpu.enqueue_indirect_dma source(%dma_start3A_15 : memref<10000x128xf32, #tpu.memory_space<hbm>>) target(%arg7 : memref<128x128xf32, #tpu.memory_space<vmem>>) offsets(%dma_start3A_12 : memref<128xi32, #tpu.memory_space<vmem>>) semaphore(%arg12 : memref<!tpu.dma_semaphore, #tpu.memory_space<semaphore_mem>>)
    %dma_start3A_16 = arith.constant 2 : i32
    %dma_start3A_17 = arith.constant 0 : i32
    %dma_start3A_18 = tpu.memref_slice %arg5[%dma_start3A_16, %dma_start3A_17] : memref<200x128xi32, #tpu.memory_space<vmem>> -> memref<1x128xi32, #tpu.memory_space<vmem>>
    %dma_start3A_19 = tpu.memref_squeeze %dma_start3A_18 : memref<1x128xi32, #tpu.memory_space<vmem>> -> memref<128xi32, #tpu.memory_space<vmem>>
    %dma_start3A_20 = arith.constant 0 : i32
    %dma_start3A_21 = arith.constant 0 : i32
    %dma_start3A_22 = tpu.memref_slice %arg3[%dma_start3A_20, %dma_start3A_21] : memref<10000x128xf32, #tpu.memory_space<hbm>> -> memref<10000x128xf32, #tpu.memory_space<hbm>>
    tpu.enqueue_indirect_dma source(%dma_start3A_22 : memref<10000x128xf32, #tpu.memory_space<hbm>>) target(%arg8 : memref<128x128xf32, #tpu.memory_space<vmem>>) offsets(%dma_start3A_19 : memref<128xi32, #tpu.memory_space<vmem>>) semaphore(%arg13 : memref<!tpu.dma_semaphore, #tpu.memory_space<semaphore_mem>>)
    %dma_start3A_23 = arith.constant 3 : i32
    %dma_start3A_24 = arith.constant 0 : i32
    %dma_start3A_25 = tpu.memref_slice %arg5[%dma_start3A_23, %dma_start3A_24] : memref<200x128xi32, #tpu.memory_space<vmem>> -> memref<1x128xi32, #tpu.memory_space<vmem>>
    %dma_start3A_26 = tpu.memref_squeeze %dma_start3A_25 : memref<1x128xi32, #tpu.memory_space<vmem>> -> memref<128xi32, #tpu.memory_space<vmem>>
    %dma_start3A_27 = arith.constant 0 : i32
    %dma_start3A_28 = arith.constant 0 : i32
    %dma_start3A_29 = tpu.memref_slice %arg3[%dma_start3A_27, %dma_start3A_28] : memref<10000x128xf32, #tpu.memory_space<hbm>> -> memref<10000x128xf32, #tpu.memory_space<hbm>>
    tpu.enqueue_indirect_dma source(%dma_start3A_29 : memref<10000x128xf32, #tpu.memory_space<hbm>>) target(%arg9 : memref<128x128xf32, #tpu.memory_space<vmem>>) offsets(%dma_start3A_26 : memref<128xi32, #tpu.memory_space<vmem>>) semaphore(%arg14 : memref<!tpu.dma_semaphore, #tpu.memory_space<semaphore_mem>>)
    %dma_start3A_30 = arith.constant 4 : i32
    %dma_start3A_31 = arith.constant 0 : i32
    %dma_start3A_32 = tpu.memref_slice %arg5[%dma_start3A_30, %dma_start3A_31] : memref<200x128xi32, #tpu.memory_space<vmem>> -> memref<1x128xi32, #tpu.memory_space<vmem>>
    %dma_start3A_33 = tpu.memref_squeeze %dma_start3A_32 : memref<1x128xi32, #tpu.memory_space<vmem>> -> memref<128xi32, #tpu.memory_space<vmem>>
    %dma_start3A_34 = arith.constant 0 : i32
    %dma_start3A_35 = arith.constant 0 : i32
    %dma_start3A_36 = tpu.memref_slice %arg3[%dma_start3A_34, %dma_start3A_35] : memref<10000x128xf32, #tpu.memory_space<hbm>> -> memref<10000x128xf32, #tpu.memory_space<hbm>>
    tpu.enqueue_indirect_dma source(%dma_start3A_36 : memref<10000x128xf32, #tpu.memory_space<hbm>>) target(%arg10 : memref<128x128xf32, #tpu.memory_space<vmem>>) offsets(%dma_start3A_33 : memref<128xi32, #tpu.memory_space<vmem>>) semaphore(%arg15 : memref<!tpu.dma_semaphore, #tpu.memory_space<semaphore_mem>>)
    %scan3A = arith.constant 0 : i32
    %scan3A_37 = arith.constant 0 : i32
    %scan3A_38 = arith.constant 40 : i32
    %scan3A_39 = arith.addi %scan3A_37, %scan3A_38 : i32
    %scan3A_40 = arith.constant 1 : i32
    scf.for %scan3A_61 = %scan3A_37 to %scan3A_39 step %scan3A_40  : i32 {
      %mul3A_62 = arith.constant 5 : i32
      %mul3A_63 = arith.muli %scan3A_61, %mul3A_62 : i32
      %add3A_64 = arith.constant 0 : i32
      %add3A_65 = arith.addi %mul3A_63, %add3A_64 : i32
      %dma_wait3A_66 = arith.constant 0 : i32
      %dma_wait3A_67 = arith.constant 0 : i32
      %dma_wait3A_68 = tpu.memref_slice %arg3[%dma_wait3A_66, %dma_wait3A_67] : memref<10000x128xf32, #tpu.memory_space<hbm>> -> memref<128x128xf32, #tpu.memory_space<hbm>>
      %dma_wait3A_69 = arith.constant 0 : i32
      %dma_wait3A_70 = arith.constant 0 : i32
      %dma_wait3A_71 = tpu.memref_slice %arg3[%dma_wait3A_69, %dma_wait3A_70] : memref<10000x128xf32, #tpu.memory_space<hbm>> -> memref<128x128xf32, #tpu.memory_space<hbm>>
      tpu.wait_dma2 semaphore(%arg11 : memref<!tpu.dma_semaphore, #tpu.memory_space<semaphore_mem>>) src(%dma_wait3A_71 : memref<128x128xf32, #tpu.memory_space<hbm>>) dst(%arg6 : memref<128x128xf32, #tpu.memory_space<vmem>>)
      %mul3A_72 = arith.constant 128 : i32
      %mul3A_73 = arith.muli %add3A_65, %mul3A_72 : i32
      %add3A_74 = arith.addi %mul3A_2, %mul3A_73 : i32
      %dma_start3A_75 = arith.constant 0 : i32
      %dma_start3A_76 = tpu.memref_slice %arg4[%add3A_74, %dma_start3A_75] : memref<819200x128xf32, #tpu.memory_space<hbm>> -> memref<128x128xf32, #tpu.memory_space<hbm>>
      %dma_start3A_77 = arith.constant 0 : i32
      %dma_start3A_78 = tpu.memref_slice %arg4[%add3A_74, %dma_start3A_77] : memref<819200x128xf32, #tpu.memory_space<hbm>> -> memref<128x128xf32, #tpu.memory_space<hbm>>
      tpu.enqueue_dma source(%arg6 : memref<128x128xf32, #tpu.memory_space<vmem>>) target(%dma_start3A_78 : memref<128x128xf32, #tpu.memory_space<hbm>>) target_semaphore(%arg16 : memref<!tpu.dma_semaphore, #tpu.memory_space<semaphore_mem>>)
      %mul3A_79 = arith.constant 5 : i32
      %mul3A_80 = arith.muli %scan3A_61, %mul3A_79 : i32
      %add3A_81 = arith.constant 1 : i32
      %add3A_82 = arith.addi %mul3A_80, %add3A_81 : i32
      %dma_wait3A_83 = arith.constant 0 : i32
      %dma_wait3A_84 = arith.constant 0 : i32
      %dma_wait3A_85 = tpu.memref_slice %arg3[%dma_wait3A_83, %dma_wait3A_84] : memref<10000x128xf32, #tpu.memory_space<hbm>> -> memref<128x128xf32, #tpu.memory_space<hbm>>
      %dma_wait3A_86 = arith.constant 0 : i32
      %dma_wait3A_87 = arith.constant 0 : i32
      %dma_wait3A_88 = tpu.memref_slice %arg3[%dma_wait3A_86, %dma_wait3A_87] : memref<10000x128xf32, #tpu.memory_space<hbm>> -> memref<128x128xf32, #tpu.memory_space<hbm>>
      tpu.wait_dma2 semaphore(%arg12 : memref<!tpu.dma_semaphore, #tpu.memory_space<semaphore_mem>>) src(%dma_wait3A_88 : memref<128x128xf32, #tpu.memory_space<hbm>>) dst(%arg7 : memref<128x128xf32, #tpu.memory_space<vmem>>)
      %mul3A_89 = arith.constant 128 : i32
      %mul3A_90 = arith.muli %add3A_82, %mul3A_89 : i32
      %add3A_91 = arith.addi %mul3A_2, %mul3A_90 : i32
      %dma_start3A_92 = arith.constant 0 : i32
      %dma_start3A_93 = tpu.memref_slice %arg4[%add3A_91, %dma_start3A_92] : memref<819200x128xf32, #tpu.memory_space<hbm>> -> memref<128x128xf32, #tpu.memory_space<hbm>>
      %dma_start3A_94 = arith.constant 0 : i32
      %dma_start3A_95 = tpu.memref_slice %arg4[%add3A_91, %dma_start3A_94] : memref<819200x128xf32, #tpu.memory_space<hbm>> -> memref<128x128xf32, #tpu.memory_space<hbm>>
      tpu.enqueue_dma source(%arg7 : memref<128x128xf32, #tpu.memory_space<vmem>>) target(%dma_start3A_95 : memref<128x128xf32, #tpu.memory_space<hbm>>) target_semaphore(%arg17 : memref<!tpu.dma_semaphore, #tpu.memory_space<semaphore_mem>>)
      %mul3A_96 = arith.constant 5 : i32
      %mul3A_97 = arith.muli %scan3A_61, %mul3A_96 : i32
      %add3A_98 = arith.constant 2 : i32
      %add3A_99 = arith.addi %mul3A_97, %add3A_98 : i32
      %dma_wait3A_100 = arith.constant 0 : i32
      %dma_wait3A_101 = arith.constant 0 : i32
      %dma_wait3A_102 = tpu.memref_slice %arg3[%dma_wait3A_100, %dma_wait3A_101] : memref<10000x128xf32, #tpu.memory_space<hbm>> -> memref<128x128xf32, #tpu.memory_space<hbm>>
      %dma_wait3A_103 = arith.constant 0 : i32
      %dma_wait3A_104 = arith.constant 0 : i32
      %dma_wait3A_105 = tpu.memref_slice %arg3[%dma_wait3A_103, %dma_wait3A_104] : memref<10000x128xf32, #tpu.memory_space<hbm>> -> memref<128x128xf32, #tpu.memory_space<hbm>>
      tpu.wait_dma2 semaphore(%arg13 : memref<!tpu.dma_semaphore, #tpu.memory_space<semaphore_mem>>) src(%dma_wait3A_105 : memref<128x128xf32, #tpu.memory_space<hbm>>) dst(%arg8 : memref<128x128xf32, #tpu.memory_space<vmem>>)
      %mul3A_106 = arith.constant 128 : i32
      %mul3A_107 = arith.muli %add3A_99, %mul3A_106 : i32
      %add3A_108 = arith.addi %mul3A_2, %mul3A_107 : i32
      %dma_start3A_109 = arith.constant 0 : i32
      %dma_start3A_110 = tpu.memref_slice %arg4[%add3A_108, %dma_start3A_109] : memref<819200x128xf32, #tpu.memory_space<hbm>> -> memref<128x128xf32, #tpu.memory_space<hbm>>
      %dma_start3A_111 = arith.constant 0 : i32
      %dma_start3A_112 = tpu.memref_slice %arg4[%add3A_108, %dma_start3A_111] : memref<819200x128xf32, #tpu.memory_space<hbm>> -> memref<128x128xf32, #tpu.memory_space<hbm>>
      tpu.enqueue_dma source(%arg8 : memref<128x128xf32, #tpu.memory_space<vmem>>) target(%dma_start3A_112 : memref<128x128xf32, #tpu.memory_space<hbm>>) target_semaphore(%arg18 : memref<!tpu.dma_semaphore, #tpu.memory_space<semaphore_mem>>)
      %mul3A_113 = arith.constant 5 : i32
      %mul3A_114 = arith.muli %scan3A_61, %mul3A_113 : i32
      %add3A_115 = arith.constant 3 : i32
      %add3A_116 = arith.addi %mul3A_114, %add3A_115 : i32
      %dma_wait3A_117 = arith.constant 0 : i32
      %dma_wait3A_118 = arith.constant 0 : i32
      %dma_wait3A_119 = tpu.memref_slice %arg3[%dma_wait3A_117, %dma_wait3A_118] : memref<10000x128xf32, #tpu.memory_space<hbm>> -> memref<128x128xf32, #tpu.memory_space<hbm>>
      %dma_wait3A_120 = arith.constant 0 : i32
      %dma_wait3A_121 = arith.constant 0 : i32
      %dma_wait3A_122 = tpu.memref_slice %arg3[%dma_wait3A_120, %dma_wait3A_121] : memref<10000x128xf32, #tpu.memory_space<hbm>> -> memref<128x128xf32, #tpu.memory_space<hbm>>
      tpu.wait_dma2 semaphore(%arg14 : memref<!tpu.dma_semaphore, #tpu.memory_space<semaphore_mem>>) src(%dma_wait3A_122 : memref<128x128xf32, #tpu.memory_space<hbm>>) dst(%arg9 : memref<128x128xf32, #tpu.memory_space<vmem>>)
      %mul3A_123 = arith.constant 128 : i32
      %mul3A_124 = arith.muli %add3A_116, %mul3A_123 : i32
      %add3A_125 = arith.addi %mul3A_2, %mul3A_124 : i32
      %dma_start3A_126 = arith.constant 0 : i32
      %dma_start3A_127 = tpu.memref_slice %arg4[%add3A_125, %dma_start3A_126] : memref<819200x128xf32, #tpu.memory_space<hbm>> -> memref<128x128xf32, #tpu.memory_space<hbm>>
      %dma_start3A_128 = arith.constant 0 : i32
      %dma_start3A_129 = tpu.memref_slice %arg4[%add3A_125, %dma_start3A_128] : memref<819200x128xf32, #tpu.memory_space<hbm>> -> memref<128x128xf32, #tpu.memory_space<hbm>>
      tpu.enqueue_dma source(%arg9 : memref<128x128xf32, #tpu.memory_space<vmem>>) target(%dma_start3A_129 : memref<128x128xf32, #tpu.memory_space<hbm>>) target_semaphore(%arg19 : memref<!tpu.dma_semaphore, #tpu.memory_space<semaphore_mem>>)
      %mul3A_130 = arith.constant 5 : i32
      %mul3A_131 = arith.muli %scan3A_61, %mul3A_130 : i32
      %add3A_132 = arith.constant 4 : i32
      %add3A_133 = arith.addi %mul3A_131, %add3A_132 : i32
      %dma_wait3A_134 = arith.constant 0 : i32
      %dma_wait3A_135 = arith.constant 0 : i32
      %dma_wait3A_136 = tpu.memref_slice %arg3[%dma_wait3A_134, %dma_wait3A_135] : memref<10000x128xf32, #tpu.memory_space<hbm>> -> memref<128x128xf32, #tpu.memory_space<hbm>>
      %dma_wait3A_137 = arith.constant 0 : i32
      %dma_wait3A_138 = arith.constant 0 : i32
      %dma_wait3A_139 = tpu.memref_slice %arg3[%dma_wait3A_137, %dma_wait3A_138] : memref<10000x128xf32, #tpu.memory_space<hbm>> -> memref<128x128xf32, #tpu.memory_space<hbm>>
      tpu.wait_dma2 semaphore(%arg15 : memref<!tpu.dma_semaphore, #tpu.memory_space<semaphore_mem>>) src(%dma_wait3A_139 : memref<128x128xf32, #tpu.memory_space<hbm>>) dst(%arg10 : memref<128x128xf32, #tpu.memory_space<vmem>>)
      %mul3A_140 = arith.constant 128 : i32
      %mul3A_141 = arith.muli %add3A_133, %mul3A_140 : i32
      %add3A_142 = arith.addi %mul3A_2, %mul3A_141 : i32
      %dma_start3A_143 = arith.constant 0 : i32
      %dma_start3A_144 = tpu.memref_slice %arg4[%add3A_142, %dma_start3A_143] : memref<819200x128xf32, #tpu.memory_space<hbm>> -> memref<128x128xf32, #tpu.memory_space<hbm>>
      %dma_start3A_145 = arith.constant 0 : i32
      %dma_start3A_146 = tpu.memref_slice %arg4[%add3A_142, %dma_start3A_145] : memref<819200x128xf32, #tpu.memory_space<hbm>> -> memref<128x128xf32, #tpu.memory_space<hbm>>
      tpu.enqueue_dma source(%arg10 : memref<128x128xf32, #tpu.memory_space<vmem>>) target(%dma_start3A_146 : memref<128x128xf32, #tpu.memory_space<hbm>>) target_semaphore(%arg20 : memref<!tpu.dma_semaphore, #tpu.memory_space<semaphore_mem>>)
      %add3A_147 = arith.constant 1 : i32
      %add3A_148 = arith.addi %scan3A_61, %add3A_147 : i32
      %lt3A = arith.constant 40 : i32
      %lt3A_149 = arith.cmpi slt, %add3A_148, %lt3A : i32
      %convert_element_type3A = arith.extui %lt3A_149 : i1 to i32
      %cond3A = arith.constant 0 : i32
      %cond3A_150 = arith.cmpi ne, %convert_element_type3A, %cond3A : i32
      scf.if %cond3A_150 {
        %add3A_151 = arith.constant 1 : i32
        %add3A_152 = arith.addi %scan3A_61, %add3A_151 : i32
        %mul3A_153 = arith.constant 5 : i32
        %mul3A_154 = arith.muli %add3A_152, %mul3A_153 : i32
        %add3A_155 = arith.constant 0 : i32
        %add3A_156 = arith.addi %mul3A_154, %add3A_155 : i32
        %dma_wait3A_157 = arith.constant 0 : i32
        %dma_wait3A_158 = tpu.memref_slice %arg4[%mul3A_2, %dma_wait3A_157] : memref<819200x128xf32, #tpu.memory_space<hbm>> -> memref<128x128xf32, #tpu.memory_space<hbm>>
        %dma_wait3A_159 = arith.constant 0 : i32
        %dma_wait3A_160 = tpu.memref_slice %arg4[%mul3A_2, %dma_wait3A_159] : memref<819200x128xf32, #tpu.memory_space<hbm>> -> memref<128x128xf32, #tpu.memory_space<hbm>>
        tpu.wait_dma2 semaphore(%arg16 : memref<!tpu.dma_semaphore, #tpu.memory_space<semaphore_mem>>) src(%arg6 : memref<128x128xf32, #tpu.memory_space<vmem>>) dst(%dma_wait3A_160 : memref<128x128xf32, #tpu.memory_space<hbm>>)
        %dma_start3A_161 = arith.constant 0 : i32
        %dma_start3A_162 = tpu.memref_slice %arg5[%add3A_156, %dma_start3A_161] : memref<200x128xi32, #tpu.memory_space<vmem>> -> memref<1x128xi32, #tpu.memory_space<vmem>>
        %dma_start3A_163 = tpu.memref_squeeze %dma_start3A_162 : memref<1x128xi32, #tpu.memory_space<vmem>> -> memref<128xi32, #tpu.memory_space<vmem>>
        %dma_start3A_164 = arith.constant 0 : i32
        %dma_start3A_165 = arith.constant 0 : i32
        %dma_start3A_166 = tpu.memref_slice %arg3[%dma_start3A_164, %dma_start3A_165] : memref<10000x128xf32, #tpu.memory_space<hbm>> -> memref<10000x128xf32, #tpu.memory_space<hbm>>
        tpu.enqueue_indirect_dma source(%dma_start3A_166 : memref<10000x128xf32, #tpu.memory_space<hbm>>) target(%arg6 : memref<128x128xf32, #tpu.memory_space<vmem>>) offsets(%dma_start3A_163 : memref<128xi32, #tpu.memory_space<vmem>>) semaphore(%arg11 : memref<!tpu.dma_semaphore, #tpu.memory_space<semaphore_mem>>)
        %add3A_167 = arith.constant 1 : i32
        %add3A_168 = arith.addi %scan3A_61, %add3A_167 : i32
        %mul3A_169 = arith.constant 5 : i32
        %mul3A_170 = arith.muli %add3A_168, %mul3A_169 : i32
        %add3A_171 = arith.constant 1 : i32
        %add3A_172 = arith.addi %mul3A_170, %add3A_171 : i32
        %dma_wait3A_173 = arith.constant 0 : i32
        %dma_wait3A_174 = tpu.memref_slice %arg4[%mul3A_2, %dma_wait3A_173] : memref<819200x128xf32, #tpu.memory_space<hbm>> -> memref<128x128xf32, #tpu.memory_space<hbm>>
        %dma_wait3A_175 = arith.constant 0 : i32
        %dma_wait3A_176 = tpu.memref_slice %arg4[%mul3A_2, %dma_wait3A_175] : memref<819200x128xf32, #tpu.memory_space<hbm>> -> memref<128x128xf32, #tpu.memory_space<hbm>>
        tpu.wait_dma2 semaphore(%arg17 : memref<!tpu.dma_semaphore, #tpu.memory_space<semaphore_mem>>) src(%arg7 : memref<128x128xf32, #tpu.memory_space<vmem>>) dst(%dma_wait3A_176 : memref<128x128xf32, #tpu.memory_space<hbm>>)
        %dma_start3A_177 = arith.constant 0 : i32
        %dma_start3A_178 = tpu.memref_slice %arg5[%add3A_172, %dma_start3A_177] : memref<200x128xi32, #tpu.memory_space<vmem>> -> memref<1x128xi32, #tpu.memory_space<vmem>>
        %dma_start3A_179 = tpu.memref_squeeze %dma_start3A_178 : memref<1x128xi32, #tpu.memory_space<vmem>> -> memref<128xi32, #tpu.memory_space<vmem>>
        %dma_start3A_180 = arith.constant 0 : i32
        %dma_start3A_181 = arith.constant 0 : i32
        %dma_start3A_182 = tpu.memref_slice %arg3[%dma_start3A_180, %dma_start3A_181] : memref<10000x128xf32, #tpu.memory_space<hbm>> -> memref<10000x128xf32, #tpu.memory_space<hbm>>
        tpu.enqueue_indirect_dma source(%dma_start3A_182 : memref<10000x128xf32, #tpu.memory_space<hbm>>) target(%arg7 : memref<128x128xf32, #tpu.memory_space<vmem>>) offsets(%dma_start3A_179 : memref<128xi32, #tpu.memory_space<vmem>>) semaphore(%arg12 : memref<!tpu.dma_semaphore, #tpu.memory_space<semaphore_mem>>)
        %add3A_183 = arith.constant 1 : i32
        %add3A_184 = arith.addi %scan3A_61, %add3A_183 : i32
        %mul3A_185 = arith.constant 5 : i32
        %mul3A_186 = arith.muli %add3A_184, %mul3A_185 : i32
        %add3A_187 = arith.constant 2 : i32
        %add3A_188 = arith.addi %mul3A_186, %add3A_187 : i32
        %dma_wait3A_189 = arith.constant 0 : i32
        %dma_wait3A_190 = tpu.memref_slice %arg4[%mul3A_2, %dma_wait3A_189] : memref<819200x128xf32, #tpu.memory_space<hbm>> -> memref<128x128xf32, #tpu.memory_space<hbm>>
        %dma_wait3A_191 = arith.constant 0 : i32
        %dma_wait3A_192 = tpu.memref_slice %arg4[%mul3A_2, %dma_wait3A_191] : memref<819200x128xf32, #tpu.memory_space<hbm>> -> memref<128x128xf32, #tpu.memory_space<hbm>>
        tpu.wait_dma2 semaphore(%arg18 : memref<!tpu.dma_semaphore, #tpu.memory_space<semaphore_mem>>) src(%arg8 : memref<128x128xf32, #tpu.memory_space<vmem>>) dst(%dma_wait3A_192 : memref<128x128xf32, #tpu.memory_space<hbm>>)
        %dma_start3A_193 = arith.constant 0 : i32
        %dma_start3A_194 = tpu.memref_slice %arg5[%add3A_188, %dma_start3A_193] : memref<200x128xi32, #tpu.memory_space<vmem>> -> memref<1x128xi32, #tpu.memory_space<vmem>>
        %dma_start3A_195 = tpu.memref_squeeze %dma_start3A_194 : memref<1x128xi32, #tpu.memory_space<vmem>> -> memref<128xi32, #tpu.memory_space<vmem>>
        %dma_start3A_196 = arith.constant 0 : i32
        %dma_start3A_197 = arith.constant 0 : i32
        %dma_start3A_198 = tpu.memref_slice %arg3[%dma_start3A_196, %dma_start3A_197] : memref<10000x128xf32, #tpu.memory_space<hbm>> -> memref<10000x128xf32, #tpu.memory_space<hbm>>
        tpu.enqueue_indirect_dma source(%dma_start3A_198 : memref<10000x128xf32, #tpu.memory_space<hbm>>) target(%arg8 : memref<128x128xf32, #tpu.memory_space<vmem>>) offsets(%dma_start3A_195 : memref<128xi32, #tpu.memory_space<vmem>>) semaphore(%arg13 : memref<!tpu.dma_semaphore, #tpu.memory_space<semaphore_mem>>)
        %add3A_199 = arith.constant 1 : i32
        %add3A_200 = arith.addi %scan3A_61, %add3A_199 : i32
        %mul3A_201 = arith.constant 5 : i32
        %mul3A_202 = arith.muli %add3A_200, %mul3A_201 : i32
        %add3A_203 = arith.constant 3 : i32
        %add3A_204 = arith.addi %mul3A_202, %add3A_203 : i32
        %dma_wait3A_205 = arith.constant 0 : i32
        %dma_wait3A_206 = tpu.memref_slice %arg4[%mul3A_2, %dma_wait3A_205] : memref<819200x128xf32, #tpu.memory_space<hbm>> -> memref<128x128xf32, #tpu.memory_space<hbm>>
        %dma_wait3A_207 = arith.constant 0 : i32
        %dma_wait3A_208 = tpu.memref_slice %arg4[%mul3A_2, %dma_wait3A_207] : memref<819200x128xf32, #tpu.memory_space<hbm>> -> memref<128x128xf32, #tpu.memory_space<hbm>>
        tpu.wait_dma2 semaphore(%arg19 : memref<!tpu.dma_semaphore, #tpu.memory_space<semaphore_mem>>) src(%arg9 : memref<128x128xf32, #tpu.memory_space<vmem>>) dst(%dma_wait3A_208 : memref<128x128xf32, #tpu.memory_space<hbm>>)
        %dma_start3A_209 = arith.constant 0 : i32
        %dma_start3A_210 = tpu.memref_slice %arg5[%add3A_204, %dma_start3A_209] : memref<200x128xi32, #tpu.memory_space<vmem>> -> memref<1x128xi32, #tpu.memory_space<vmem>>
        %dma_start3A_211 = tpu.memref_squeeze %dma_start3A_210 : memref<1x128xi32, #tpu.memory_space<vmem>> -> memref<128xi32, #tpu.memory_space<vmem>>
        %dma_start3A_212 = arith.constant 0 : i32
        %dma_start3A_213 = arith.constant 0 : i32
        %dma_start3A_214 = tpu.memref_slice %arg3[%dma_start3A_212, %dma_start3A_213] : memref<10000x128xf32, #tpu.memory_space<hbm>> -> memref<10000x128xf32, #tpu.memory_space<hbm>>
        tpu.enqueue_indirect_dma source(%dma_start3A_214 : memref<10000x128xf32, #tpu.memory_space<hbm>>) target(%arg9 : memref<128x128xf32, #tpu.memory_space<vmem>>) offsets(%dma_start3A_211 : memref<128xi32, #tpu.memory_space<vmem>>) semaphore(%arg14 : memref<!tpu.dma_semaphore, #tpu.memory_space<semaphore_mem>>)
        %add3A_215 = arith.constant 1 : i32
        %add3A_216 = arith.addi %scan3A_61, %add3A_215 : i32
        %mul3A_217 = arith.constant 5 : i32
        %mul3A_218 = arith.muli %add3A_216, %mul3A_217 : i32
        %add3A_219 = arith.constant 4 : i32
        %add3A_220 = arith.addi %mul3A_218, %add3A_219 : i32
        %dma_wait3A_221 = arith.constant 0 : i32
        %dma_wait3A_222 = tpu.memref_slice %arg4[%mul3A_2, %dma_wait3A_221] : memref<819200x128xf32, #tpu.memory_space<hbm>> -> memref<128x128xf32, #tpu.memory_space<hbm>>
        %dma_wait3A_223 = arith.constant 0 : i32
        %dma_wait3A_224 = tpu.memref_slice %arg4[%mul3A_2, %dma_wait3A_223] : memref<819200x128xf32, #tpu.memory_space<hbm>> -> memref<128x128xf32, #tpu.memory_space<hbm>>
        tpu.wait_dma2 semaphore(%arg20 : memref<!tpu.dma_semaphore, #tpu.memory_space<semaphore_mem>>) src(%arg10 : memref<128x128xf32, #tpu.memory_space<vmem>>) dst(%dma_wait3A_224 : memref<128x128xf32, #tpu.memory_space<hbm>>)
        %dma_start3A_225 = arith.constant 0 : i32
        %dma_start3A_226 = tpu.memref_slice %arg5[%add3A_220, %dma_start3A_225] : memref<200x128xi32, #tpu.memory_space<vmem>> -> memref<1x128xi32, #tpu.memory_space<vmem>>
        %dma_start3A_227 = tpu.memref_squeeze %dma_start3A_226 : memref<1x128xi32, #tpu.memory_space<vmem>> -> memref<128xi32, #tpu.memory_space<vmem>>
        %dma_start3A_228 = arith.constant 0 : i32
        %dma_start3A_229 = arith.constant 0 : i32
        %dma_start3A_230 = tpu.memref_slice %arg3[%dma_start3A_228, %dma_start3A_229] : memref<10000x128xf32, #tpu.memory_space<hbm>> -> memref<10000x128xf32, #tpu.memory_space<hbm>>
        tpu.enqueue_indirect_dma source(%dma_start3A_230 : memref<10000x128xf32, #tpu.memory_space<hbm>>) target(%arg10 : memref<128x128xf32, #tpu.memory_space<vmem>>) offsets(%dma_start3A_227 : memref<128xi32, #tpu.memory_space<vmem>>) semaphore(%arg15 : memref<!tpu.dma_semaphore, #tpu.memory_space<semaphore_mem>>)
      } else {
      }
    }
    %scan3A_41 = arith.constant 40 : i32
    %dma_wait3A = arith.constant 0 : i32
    %dma_wait3A_42 = tpu.memref_slice %arg4[%mul3A_2, %dma_wait3A] : memref<819200x128xf32, #tpu.memory_space<hbm>> -> memref<128x128xf32, #tpu.memory_space<hbm>>
    %dma_wait3A_43 = arith.constant 0 : i32
    %dma_wait3A_44 = tpu.memref_slice %arg4[%mul3A_2, %dma_wait3A_43] : memref<819200x128xf32, #tpu.memory_space<hbm>> -> memref<128x128xf32, #tpu.memory_space<hbm>>
    tpu.wait_dma2 semaphore(%arg16 : memref<!tpu.dma_semaphore, #tpu.memory_space<semaphore_mem>>) src(%arg6 : memref<128x128xf32, #tpu.memory_space<vmem>>) dst(%dma_wait3A_44 : memref<128x128xf32, #tpu.memory_space<hbm>>)
    %dma_wait3A_45 = arith.constant 0 : i32
    %dma_wait3A_46 = tpu.memref_slice %arg4[%mul3A_2, %dma_wait3A_45] : memref<819200x128xf32, #tpu.memory_space<hbm>> -> memref<128x128xf32, #tpu.memory_space<hbm>>
    %dma_wait3A_47 = arith.constant 0 : i32
    %dma_wait3A_48 = tpu.memref_slice %arg4[%mul3A_2, %dma_wait3A_47] : memref<819200x128xf32, #tpu.memory_space<hbm>> -> memref<128x128xf32, #tpu.memory_space<hbm>>
    tpu.wait_dma2 semaphore(%arg17 : memref<!tpu.dma_semaphore, #tpu.memory_space<semaphore_mem>>) src(%arg7 : memref<128x128xf32, #tpu.memory_space<vmem>>) dst(%dma_wait3A_48 : memref<128x128xf32, #tpu.memory_space<hbm>>)
    %dma_wait3A_49 = arith.constant 0 : i32
    %dma_wait3A_50 = tpu.memref_slice %arg4[%mul3A_2, %dma_wait3A_49] : memref<819200x128xf32, #tpu.memory_space<hbm>> -> memref<128x128xf32, #tpu.memory_space<hbm>>
    %dma_wait3A_51 = arith.constant 0 : i32
    %dma_wait3A_52 = tpu.memref_slice %arg4[%mul3A_2, %dma_wait3A_51] : memref<819200x128xf32, #tpu.memory_space<hbm>> -> memref<128x128xf32, #tpu.memory_space<hbm>>
    tpu.wait_dma2 semaphore(%arg18 : memref<!tpu.dma_semaphore, #tpu.memory_space<semaphore_mem>>) src(%arg8 : memref<128x128xf32, #tpu.memory_space<vmem>>) dst(%dma_wait3A_52 : memref<128x128xf32, #tpu.memory_space<hbm>>)
    %dma_wait3A_53 = arith.constant 0 : i32
    %dma_wait3A_54 = tpu.memref_slice %arg4[%mul3A_2, %dma_wait3A_53] : memref<819200x128xf32, #tpu.memory_space<hbm>> -> memref<128x128xf32, #tpu.memory_space<hbm>>
    %dma_wait3A_55 = arith.constant 0 : i32
    %dma_wait3A_56 = tpu.memref_slice %arg4[%mul3A_2, %dma_wait3A_55] : memref<819200x128xf32, #tpu.memory_space<hbm>> -> memref<128x128xf32, #tpu.memory_space<hbm>>
    tpu.wait_dma2 semaphore(%arg19 : memref<!tpu.dma_semaphore, #tpu.memory_space<semaphore_mem>>) src(%arg9 : memref<128x128xf32, #tpu.memory_space<vmem>>) dst(%dma_wait3A_56 : memref<128x128xf32, #tpu.memory_space<hbm>>)
    %dma_wait3A_57 = arith.constant 0 : i32
    %dma_wait3A_58 = tpu.memref_slice %arg4[%mul3A_2, %dma_wait3A_57] : memref<819200x128xf32, #tpu.memory_space<hbm>> -> memref<128x128xf32, #tpu.memory_space<hbm>>
    %dma_wait3A_59 = arith.constant 0 : i32
    %dma_wait3A_60 = tpu.memref_slice %arg4[%mul3A_2, %dma_wait3A_59] : memref<819200x128xf32, #tpu.memory_space<hbm>> -> memref<128x128xf32, #tpu.memory_space<hbm>>
    tpu.wait_dma2 semaphore(%arg20 : memref<!tpu.dma_semaphore, #tpu.memory_space<semaphore_mem>>) src(%arg10 : memref<128x128xf32, #tpu.memory_space<vmem>>) dst(%dma_wait3A_60 : memref<128x128xf32, #tpu.memory_space<hbm>>)
    return
  }
}

</mosaic_0001>

<sc_bundles>
// kernel: kernel.3.cloned.1.call-start
scs
__scs_entry_jumppad:
0x0: {  	(pc) =	sbr.rel $0x88, $3  }
0x1: {  	(tag) =	ssettag $0x0;
	lr =	simm.s32 $0x1  }
0x2: {  	[smem:$0x3F9F] =	sst lr;
	_ =	strace $0xD0000000  }
0x3: {  	_ = 	snop  }
0x4: {  	_ = 	snop  }
0x5: {  	_ = 	snop  }
0x6: {  	_ = 	snop  }
0x7: {  	_ = 	snop  }
__scs_overlays_trampoline_lowered:
0x8: {  	[smem:$0x3FAE] =	sst s0  }
0x9: {  	[smem:$0x3FAF] =	sst s1  }
0xa: {  	[smem:$0x3FB0] =	sst s2  }
0xb: {  	[smem:$0x3FB1] =	sst s3  }
0xc: {  	[smem:$0x3FB2] =	sst s4  }
0xd: {  	[smem:$0x3FB3] =	sst s5  }
0xe: {  	[smem:$0x3FB4] =	sst s6  }
0xf: {  	[smem:$0x3FB5] =	sst s7  }
0x10: {  	[smem:$0x3FB6] =	sst s8  }
0x11: {  	[smem:$0x3FB7] =	sst s9;
	s0 =	simm.s32 @!p0 $0x0  }
0x12: {  	s1 =	sld [smem:$0x3F9D];
	s0 =	simm.s32 @p0 $0x1  }
0x13: {  	[smem:$0x3FB8] =	sst s0;
	s0 =	simm.s32 @!p1 $0x0  }
0x14: {  	s2 =	sld [smem:$0x3F9C];
	s0 =	simm.s32 @p1 $0x1  }
0x15: {  	[smem:$0x3FB9] =	sst s0;
	s0 =	simm.s32 @!p2 $0x0  }
0x16: {  	s3 =	sld [smem:$0x3FDB];
	s0 =	simm.s32 @p2 $0x1  }
0x17: {  	s4 =	simm.s32 $0x1BF5;
	[smem:$0x3FBB] =	sst s0  }
0x18: {  	s0 =	sld [smem:$0x3F9E];
	_ =	swait.ge [sflag:s4], $0x0  }
0x19: {  	s7 =	sld [smem:$0x3F9F]  }
0x1a: {  	s8 =	sadd.s32 $0xFFFFE003, lr  }
0x1b: {  	s9 =	sadd.s32 $0xFFFFFEF7, lr;
	s5 =	simm.s32 $0xFFFFFFFF;
	p2 =	slt.u32 s8, $0xFFFFF086  }
0x1c: {  	p1 =	slt.u32 s9, $0xF7A;
	s5 =	simm.s32 @!p2 $0x0  }
0x1d: {  	s5 =	simm.s32 @p1 $0x1;
	p0 =	seq.s32 s7, s2  }
0x1e: {  	s7 =	smul.u32 @!p0 $0xF7A, s2;
	p2 =	seq.s32 @!p0 s5, $0x0  }
0x1f: {  	s9 =	smul.u32 $0xF7A, s1;
	s8 =	simm.s32 @!p0 $0x1BF5;
	p2 =	por !p2, p0  }
0x20: {  	[sflag:s8] =	ssyncset.s32 @!p0 $0xFFFFF086;
	s6 =	sadd.s32 @!p0 s3, s7;
	s7 =	simm.s32 @!p0 $0x108  }
0x21: {  	s3 =	sadd.s32 s3, s9;
	s6 =	sadd.s32 @!p0 $0x88, s6;
	s7 =	simm.s32 @p2 $0x1082  }
0x22: {  	[simem:s7], [sflag:s8] =	dma.local @!p0 [hbm:s6], $0xF7A  }
0x23: {  	s9 =	sor.u32 $0xD0000000, s2;
	s6 =	simm.s32 $0x108;
	_ =	swait.ge @!p0 [sflag:s8], $0x0  }
0x24: {  	s3 =	sadd.s32 $0x88, s3;
	s6 =	simm.s32 @!p1 $0x1082;
	[sflag:s4] =	ssyncset.s32 $0xFFFFF086  }
0x25: {  	[simem:s6], [sflag:s4] =	dma.local [hbm:s3], $0xF7A  }
0x26: {  	[smem:$0x3F9F] =	sst s1;
	(tag) =	ssettag s2;
	_ =	strace s9  }
0x27: {  	s1 =	sld [smem:$0x3FAF]  }
0x28: {  	s2 =	sld [smem:$0x3FB0]  }
0x29: {  	s4 =	sld [smem:$0x3FB2]  }
0x2a: {  	p0 =	seq.s32 s5, $0x0;
	s5 =	sld [smem:$0x3FB3]  }
0x2b: {  	s6 =	sld [smem:$0x3FB4]  }
0x2c: {  	s7 =	sld [smem:$0x3FB5]  }
0x2d: {  	s3 =	simm.s32 $0x108;
	s8 =	sld [smem:$0x3FB6]  }
0x2e: {  	s3 =	simm.s32 @!p0 $0x1082;
	s9 =	sld [smem:$0x3FB7]  }
0x2f: {  	lr =	sadd.s32 s0, s3;
	s0 =	sld [smem:$0x3FAE]  }
0x30: {  	s3 =	sld [smem:$0x3FB1]  }
0x31: {  	[smem:$0x3FBA] =	sst s10  }
0x32: {  	s10 =	sld [smem:$0x3FB8];
	_ =	sdelay $0x3  }
0x33: {  	p0 =	seq.s32 s10, $0x1;
	s10 =	sld [smem:$0x3FBA];
	_ =	sdelay $0x3  }
0x34: {  	[smem:$0x3FBA] =	sst s10  }
0x35: {  	s10 =	sld [smem:$0x3FB9];
	_ =	sdelay $0x3  }
0x36: {  	p1 =	seq.s32 s10, $0x1;
	s10 =	sld [smem:$0x3FBA];
	_ =	sdelay $0x3  }
0x37: {  	[smem:$0x3FBA] =	sst s10  }
0x38: {  	s10 =	sld [smem:$0x3FBB]  }
0x39: {  	_ = 	snop;
	(pc) =	sbr.ind lr, $3  }
0x3a: {  	_ = 	snop  }
0x3b: {  	_ = 	snop  }
0x3c: {  	p2 =	seq.s32 s10, $0x1;
	s10 =	sld [smem:$0x3FBA]  }
0x3d: {  	_ =	shalt  }
0x3e: {  	_ =	shalt  }
0x3f: {  	_ =	shalt  }
0x40: {  	_ =	shalt  }
0x41: {  	_ =	shalt  }
0x42: {  	_ =	shalt  }
0x43: {  	_ =	shalt  }
0x44: {  	_ =	shalt  }
0x45: {  	_ =	shalt  }
0x46: {  	_ =	shalt  }
0x47: {  	_ =	shalt  }
0x48: {  	_ =	shalt  }
0x49: {  	_ =	shalt  }
0x4a: {  	_ =	shalt  }
0x4b: {  	_ =	shalt  }
0x4c: {  	_ =	shalt  }
0x4d: {  	_ =	shalt  }
0x4e: {  	_ =	shalt  }
0x4f: {  	_ =	shalt  }
0x50: {  	_ =	shalt  }
0x51: {  	_ =	shalt  }
0x52: {  	_ =	shalt  }
0x53: {  	_ =	shalt  }
0x54: {  	_ =	shalt  }
0x55: {  	_ =	shalt  }
0x56: {  	_ =	shalt  }
0x57: {  	_ =	shalt  }
0x58: {  	_ =	shalt  }
0x59: {  	_ =	shalt  }
0x5a: {  	_ =	shalt  }
0x5b: {  	_ =	shalt  }
0x5c: {  	_ =	shalt  }
0x5d: {  	_ =	shalt  }
0x5e: {  	_ =	shalt  }
0x5f: {  	_ =	shalt  }
0x60: {  	_ =	shalt  }
0x61: {  	_ =	shalt  }
0x62: {  	_ =	shalt  }
0x63: {  	_ =	shalt  }
0x64: {  	_ =	shalt  }
0x65: {  	_ =	shalt  }
0x66: {  	_ =	shalt  }
0x67: {  	_ =	shalt  }
0x68: {  	_ =	shalt  }
0x69: {  	_ =	shalt  }
0x6a: {  	_ =	shalt  }
0x6b: {  	_ =	shalt  }
0x6c: {  	_ =	shalt  }
0x6d: {  	_ =	shalt  }
0x6e: {  	_ =	shalt  }
0x6f: {  	_ =	shalt  }
0x70: {  	_ =	shalt  }
0x71: {  	_ =	shalt  }
0x72: {  	_ =	shalt  }
0x73: {  	_ =	shalt  }
0x74: {  	_ =	shalt  }
0x75: {  	_ =	shalt  }
0x76: {  	_ =	shalt  }
0x77: {  	_ =	shalt  }
0x78: {  	_ =	shalt  }
0x79: {  	_ =	shalt  }
0x7a: {  	_ =	shalt  }
0x7b: {  	_ =	shalt  }
0x7c: {  	_ =	shalt  }
0x7d: {  	_ =	shalt  }
0x7e: {  	_ =	shalt  }
0x7f: {  	_ =	shalt  }
0x80: {  	_ =	shalt  }
0x81: {  	_ =	shalt  }
0x82: {  	_ =	shalt  }
0x83: {  	_ =	shalt  }
0x84: {  	_ =	shalt  }
0x85: {  	_ =	shalt  }
0x86: {  	_ =	shalt  }
0x87: {  	_ =	shalt  }
.Lfunc_end0:
.L_simem_size_0:
called_computation_lowered:
.L_overlay_start_0:
0x88: {  	s2 =	sld [smem:$0x3FD9]  }
0x89: {  	s3 =	sld [smem:$0x3FFE];
	_ =	sdelay $0x1  }
0x8a: {  	s1 =	srdreg.scid  }
0x8b: {  	s0 =	sand.u32 $0x1, s1  }
0x8c: {  	s17 =	sshll.u32 s0, $0xA;
	s2 =	sadd.s32 s3, s2  }
0x8d: {  	s2 =	sadd.s32 s2, s17  }
0x8e: {  	[smem:$0x3FC6] =	sst s2  }
0x8f: {  	_ = 	snop  }
0x90: {  	s2 =	sld [smem:$0x3FC8]  }
0x91: {  	s18 =	sld [smem:$0x3FD0];
	(tm) =	ssettm $0x1  }
0x92: {  	s4 =	sld [smem:$0x3FFB];
	_ =	sdelay $0x3  }
0x93: {  	_ =	strace s4  }
0x94: {  	s4 =	sld [smem:$0x3FFC];
	_ =	sdelay $0x3  }
0x95: {  	_ =	strace s4  }
0x96: {  	s4 =	sld [smem:$0x3FFD];
	_ =	sdelay $0x3  }
0x97: {  	_ =	strace s4  }
0x98: {  	_ =	strace $0x8FFFFFFF  }
0x99: {  	s19 =	sld [smem:$0x3FDB];
	_ =	sdelay $0x1  }
0x9a: {  	s5 =	simm.s32 $_scs_section_size  }
0x9b: {  	s6 =	simm.s32 $_size__tile_overlayer_lowered;
	s7 =	simm.s32 $_tile_overlayer_lowered  }
0x9c: {  	s22 =	simm.s32 $0x1BFF;
	s21 =	sshll.u32 s7, $0x1;
	s4 =	sadd.s32 s5, s19  }
0x9d: {  	s8 =	simm.s32 $0x0;
	s20 =	sshll.u32 s6, $0x1;
	s6 =	sadd.s32 s21, s4  }
0x9e: {  	[timem:s8], [sflag:s22] =	dma.local [hbm:s6], s20  }
0x9f: {  	_ =	swait.ge [sflag:s22], s20  }
0xa0: {  	s5 =	ssub.s32 $0x0, s20;
	[sflag:s22] =	ssyncset.done $0x0  }
0xa1: {  	[sflag:s22] =	ssyncadd.s32 s5;
	_ =	sdelay $0x1  }
0xa2: {  	s23 =	simm.s32 $0x1B8B  }
0xa3: {  	_ =	swait.ge [sflag:s23], $0x1  }
0xa4: {  	[sflag:s23] =	ssyncset.done $0x0  }
0xa5: {  	s25 =	simm.s32 $0x1B8E;
	s24 =	sld [smem:$0x3FFE];
	[sflag:s23] =	ssyncadd.s32 $0xFFFFFFFF  }
0xa6: {  	s26 =	simm.s32 $execute0_lowered;
	[smem:$0x3FD2] =	sst s25  }
0xa7: {  	s6 =	sshll.u32 s26, $0x1;
	_ =	strace $0x80000046;
	[dreg:$0x1] =	wrdreg $0xFFFFFFFF  }
0xa8: {  	s28 =	simm.s32 $_size_execute0_lowered;
	s4 =	sadd.s32 s4, s6;
	[dreg:$0x0] =	wrdreg $0x0  }
0xa9: {  	s6 =	sshll.u32 s28, $0x1;
	[dreg:$0x2] =	wrdreg s4  }
0xaa: {  	[dreg:$0x3] =	wrdreg s6  }
0xab: {  	[dreg:$0x4] =	wrdreg $0xC0  }
0xac: {  	_ =	task [dreg:s8], $0x5FFFF  }
0xad: {  	[dreg:$0x1] =	wrdreg $0xFFFFFFFF  }
0xae: {  	[dreg:$0x0] =	wrdreg $0x60  }
0xaf: {  	[dreg:$0x2] =	wrdreg s24  }
0xb0: {  	[dreg:$0x3] =	wrdreg s2  }
0xb1: {  	[dreg:$0x4] =	wrdreg s18  }
0xb2: {  	[dreg:$0x5] =	wrdreg $0x9  }
0xb3: {  	_ =	task.clear_ibuf [dreg:s8], $0x6FFFF;
	_ =	strace $0x90000046  }
0xb4: {  	s29 =	simm.s32 $0x9;
	_ =	strace $0x80000048  }
0xb5: {  	_ =	swait.ge [sflag:s29], $0x1  }
0xb6: {  	[sflag:s29] =	ssyncadd.s32 $0xFFFFFFFF  }
0xb7: {  	_ =	strace $0x90000048  }
0xb8: {  	_ =	sfence  }
0xb9: {  	s30 =	sld [smem:$0x0];
	_ =	sdelay $0x2  }
0xba: {  	s31 =	sshll.u32 s1, $0xD;
	s1 =	sshrl.u32 s1, $0x2  }
0xbb: {  	s3 =	sand.u32 $0x4000, s31;
	s1 =	sadd.s32 s1, s30  }
0xbc: {  	s0 =	sor.u32 s3, s0;
	s1 =	sshll.u32 s1, $0x11  }
0xbd: {  	s0 =	sor.u32 s1, s0  }
0xbe: {  	s0 =	sadd.s32 $0x8F2B, s0  }
0xbf: {  	[sflag:s0] =	ssyncadd.remote.s32 $0x1  }
0xc0: {  	_ =	sfence.sel $0xFFFF  }
0xc1: {  	[dreg:$0x0] =	wrdreg $0xFFFFFFFF;
	(pc) =	sbr.abs _section_cstart, $3  }
0xc2: {  	[dreg:$0x1] =	wrdreg $0xFFFFFFFF  }
0xc3: {  	_ =	task.clear_ibuf [dreg:s8], $0x2FFFF;
	_ =	strace $0x9FFFFFFF  }
0xc4: {  	(tm) =	ssettm $0x7FFFFFFF  }
0xc5: {  	_ =	shalt  }
tec
execute0_lowered:
.L_overlay_start_1:
0x0: {  	(tag) =	ssettag $0x1  }
0x1: {  	s4 =	rddreg [dreg:$0x0]  }
0x2: {  	s1 =	srdreg.scid;
	s2 =	rddreg [dreg:$0x1]  }
0x3: {  	s0 =	stileid.u32;
	s6 =	rddreg [dreg:$0x2]  }
0x4: {  	s3 =	simm.s32 $0x0;
	s12 =	simm.s32 $0xE400;
	s13 =	simm.s32 $0x180  }
0x5: {  	s14 =	simm.s32 $0x12400;
	s15 =	simm.s32 $0x200;
	s16 =	simm.s32 $0x16400  }
0x6: {  	s17 =	simm.s32 $0x1;
	s18 =	simm.s32 $0x2;
	s19 =	simm.s32 $0x3  }
0x7: {  	s20 =	simm.s32 $0x4;
	s21 =	simm.s32 $0x5;
	s22 =	simm.s32 $0x6  }
0x8: {  	s23 =	simm.s32 $0x7;
	s24 =	simm.s32 $0x8;
	s25 =	simm.s32 $0x9  }
0x9: {  	s26 =	simm.s32 $0xA;
	s28 =	simm.s32 $0x0;
	s5 =	sand.u32 $0x1, s1  }
0xa: {  	s30 =	sshll.u32 s0, $0x1;
	[smem:$0x7FF] =	sst s3;
	s8 =	smul.u32 $0xC8000, s0  }
0xb: {  	s7 =	sor.u32 s5, s30;
	s9 =	ssub.s32 $0x2, s5;
	s5 =	smul.u32 $0x64000, s5  }
0xc: {  	_ =	strace $0x80000047;
	s7 =	smul.u32 $0x6400, s7;
	s10 =	sshrl.u32 s9, $0x1  }
0xd: {  	s6 =	sadd.s32 s8, s6;
	s8 =	simm.s32 $0x80;
	s31 =	ssub.s32 s9, s10  }
0xe: {  	s6 =	sadd.s32 s5, s6;
	s9 =	simm.s32 $0x6400;
	s7 =	sshrl.u32 s7, $0x3  }
0xf: {  	s10 =	simm.s32 $0xA400;
	s5 =	smax.u32 s31, $0x1;
	s4 =	sadd.s32 s7, s4  }
0x10: {  	s6 =	sadd.s32 $0x2000, s6;
	s7 =	simm.s32 $0xB;
	s4 =	sadd.s32 $0x400, s4  }
.LBB2_1:
0x11: {  	[tilespmem:s3], [sflag:$0xB] =	stream.linear.gather [hbm4b:s4+s3], $0x6400, $0x38;
	[tilespmem:$0x1A400] =	vst v63  }
0x12: {  	_ =	swait.ge [sflag:s7], $0x6400  }
0x13: {  	[sflag:s7] =	ssyncset.done $0x0  }
0x14: {  	[sflag:s7] =	ssyncadd.s32 $0xFFFF9C00  }
0x15: {  	[tilespmem:s9], [sflag:$0x1] =	stream.indirect.gather [hbm4b:s2+s8], $0x80, s3, s8, $0xb8;
	[tilespmem:$0x1A400] =	vst v63  }
0x16: {  	_ = 	snop  }
0x17: {  	[tilespmem:s10], [sflag:$0x2] =	stream.indirect.gather [hbm4b:s2+s8], $0x80, s8, s8, $0xb8;
	[tilespmem:$0x1A400] =	vst v63  }
0x18: {  	s0 =	simm.s32 $0x100  }
0x19: {  	[tilespmem:s12], [sflag:$0x3] =	stream.indirect.gather [hbm4b:s2+s8], $0x80, s0, s8, $0xb8;
	[tilespmem:$0x1A400] =	vst v63  }
0x1a: {  	_ = 	snop  }
0x1b: {  	[tilespmem:s14], [sflag:$0x4] =	stream.indirect.gather [hbm4b:s2+s8], $0x80, s13, s8, $0xb8;
	[tilespmem:$0x1A400] =	vst v63  }
0x1c: {  	s29 =	smov.u32 s6;
	s30 =	simm.s32 $0x0  }
0x1d: {  	[tilespmem:s16], [sflag:$0x5] =	stream.indirect.gather [hbm4b:s2+s8], $0x80, s15, s8, $0xb8;
	[tilespmem:$0x1A400] =	vst v63  }
.LBB2_2:
0x1e: {  	_ =	swait.ge [sflag:s17], $0x4000  }
0x1f: {  	[sflag:s17] =	ssyncset.done $0x0  }
0x20: {  	s31 =	sadd.s32 $0xFFFFE000, s29;
	[sflag:s17] =	ssyncadd.s32 $0xFFFFC000  }
0x21: {  	[hbm4b:s31+s3] =	stream.linear.scatter [tilespmem:s9], [sflag:$0x6], $0x4000, $0x38;
	[tilespmem:$0x1A400] =	vst v63  }
0x22: {  	_ =	swait.ge [sflag:s18], $0x4000  }
0x23: {  	[sflag:s18] =	ssyncset.done $0x0  }
0x24: {  	s0 =	sadd.s32 $0xFFFFE800, s29;
	[sflag:s18] =	ssyncadd.s32 $0xFFFFC000  }
0x25: {  	[hbm4b:s0+s3] =	stream.linear.scatter [tilespmem:s10], [sflag:$0x7], $0x4000, $0x38;
	[tilespmem:$0x1A400] =	vst v63  }
0x26: {  	_ =	swait.ge [sflag:s19], $0x4000  }
0x27: {  	[sflag:s19] =	ssyncset.done $0x0  }
0x28: {  	s1 =	sadd.s32 $0xFFFFF000, s29;
	[sflag:s19] =	ssyncadd.s32 $0xFFFFC000  }
0x29: {  	[hbm4b:s1+s3] =	stream.linear.scatter [tilespmem:s12], [sflag:$0x8], $0x4000, $0x38;
	[tilespmem:$0x1A400] =	vst v63  }
0x2a: {  	_ =	swait.ge [sflag:s20], $0x4000  }
0x2b: {  	[sflag:s20] =	ssyncset.done $0x0  }
0x2c: {  	s11 =	sadd.s32 $0xFFFFF800, s29;
	[sflag:s20] =	ssyncadd.s32 $0xFFFFC000  }
0x2d: {  	[hbm4b:s11+s3] =	stream.linear.scatter [tilespmem:s14], [sflag:$0x9], $0x4000, $0x38;
	[tilespmem:$0x1A400] =	vst v63  }
0x2e: {  	_ =	swait.ge [sflag:s21], $0x4000  }
0x2f: {  	p0 =	seq.s32 s30, $0x18600;
	[sflag:s21] =	ssyncset.done $0x0  }
0x30: {  	s31 =	simm.s32 @!p0 $0x6;
	[sflag:s21] =	ssyncadd.s32 $0xFFFFC000  }
0x31: {  	[hbm4b:s29+s3] =	stream.linear.scatter [tilespmem:s16], [sflag:$0xA], $0x4000, $0x38;
	[tilespmem:$0x1A400] =	vst v63  }
0x32: {  	_ =	swait.ge @!p0 [sflag:s31], $0x4000  }
0x33: {  	[sflag:s31] =	ssyncset.done @!p0 $0x0  }
0x34: {  	[sflag:s31] =	ssyncadd.s32 @!p0 $0xFFFFC000;
	s31 =	sshra.s32 @!p0 s30, $0x2  }
0x35: {  	s0 =	simm.s32 @!p0 $0x80;
	s11 =	simm.s32 @!p0 $0x6400;
	s1 =	sadd.s32 @!p0 $0x280, s31  }
0x36: {  	[tilespmem:s11], [sflag:$0x1] =	stream.indirect.gather @!p0 [hbm4b:s2+s0], $0x80, s1, s0, $0xb8;
	[tilespmem:$0x1A400] =	vst v63  }
0x37: {  	s1 =	simm.s32 @!p0 $0x7  }
0x38: {  	_ =	swait.ge @!p0 [sflag:s1], $0x4000  }
0x39: {  	[sflag:s1] =	ssyncset.done @!p0 $0x0  }
0x3a: {  	s11 =	simm.s32 @!p0 $0xA400;
	[sflag:s1] =	ssyncadd.s32 @!p0 $0xFFFFC000;
	s1 =	sadd.s32 @!p0 $0x300, s31  }
0x3b: {  	[tilespmem:s11], [sflag:$0x2] =	stream.indirect.gather @!p0 [hbm4b:s2+s0], $0x80, s1, s0, $0xb8;
	[tilespmem:$0x1A400] =	vst v63  }
0x3c: {  	s1 =	simm.s32 @!p0 $0x8  }
0x3d: {  	_ =	swait.ge @!p0 [sflag:s1], $0x4000  }
0x3e: {  	[sflag:s1] =	ssyncset.done @!p0 $0x0  }
0x3f: {  	s11 =	simm.s32 @!p0 $0xE400;
	[sflag:s1] =	ssyncadd.s32 @!p0 $0xFFFFC000;
	s1 =	sadd.s32 @!p0 $0x380, s31  }
0x40: {  	[tilespmem:s11], [sflag:$0x3] =	stream.indirect.gather @!p0 [hbm4b:s2+s0], $0x80, s1, s0, $0xb8;
	[tilespmem:$0x1A400] =	vst v63  }
0x41: {  	s30 =	sadd.s32 @!p0 $0xA00, s30;
	s1 =	simm.s32 @!p0 $0x9  }
0x42: {  	p1 =	sne.s32 @!p0 s30, $0x19000;
	_ =	swait.ge @!p0 [sflag:s1], $0x4000  }
0x43: {  	p1 =	por p0, !p1;
	[sflag:s1] =	ssyncset.done @!p0 $0x0  }
0x44: {  	s11 =	simm.s32 @!p0 $0x12400;
	[sflag:s1] =	ssyncadd.s32 @!p0 $0xFFFFC000;
	s1 =	sadd.s32 @!p0 $0x400, s31  }
0x45: {  	[tilespmem:s11], [sflag:$0x4] =	stream.indirect.gather @!p0 [hbm4b:s2+s0], $0x80, s1, s0, $0xb8;
	[tilespmem:$0x1A400] =	vst v63  }
.Ltmp0:
0x46: {  	s1 =	simm.s32 @!p0 $0xA;
	(pc) =	sbr.rel @!p1 .LBB2_2-.Ltmp0, $4  }
0x47: {  	_ =	swait.ge @!p0 [sflag:s1], $0x4000  }
0x48: {  	s29 =	sadd.s32 @!p0 $0x2800, s29;
	[sflag:s1] =	ssyncset.done @!p0 $0x0  }
0x49: {  	s11 =	simm.s32 @!p0 $0x16400;
	[sflag:s1] =	ssyncadd.s32 @!p0 $0xFFFFC000;
	s1 =	sadd.s32 @!p0 $0x480, s31  }
0x4a: {  	[tilespmem:s11], [sflag:$0x5] =	stream.indirect.gather @!p0 [hbm4b:s2+s0], $0x80, s1, s0, $0xb8;
	[tilespmem:$0x1A400] =	vst v63  }
0x4b: {  	_ =	swait.ge [sflag:s22], $0x4000  }
0x4c: {  	[sflag:s22] =	ssyncset.done $0x0  }
0x4d: {  	[sflag:s22] =	ssyncadd.s32 $0xFFFFC000  }
0x4e: {  	_ =	swait.ge [sflag:s23], $0x4000  }
0x4f: {  	[sflag:s23] =	ssyncset.done $0x0  }
0x50: {  	[sflag:s23] =	ssyncadd.s32 $0xFFFFC000  }
0x51: {  	_ =	swait.ge [sflag:s24], $0x4000  }
0x52: {  	[sflag:s24] =	ssyncset.done $0x0  }
0x53: {  	s28 =	sadd.s32 $0x1, s28;
	[sflag:s24] =	ssyncadd.s32 $0xFFFFC000  }
0x54: {  	p0 =	sne.s32 s28, s5;
	_ =	swait.ge [sflag:s25], $0x4000  }
.Ltmp1:
0x55: {  	[sflag:s25] =	ssyncset.done $0x0;
	(pc) =	sbr.rel @p0 .LBB2_1-.Ltmp1, $4  }
0x56: {  	[sflag:s25] =	ssyncadd.s32 $0xFFFFC000  }
0x57: {  	_ =	swait.ge [sflag:s26], $0x4000  }
0x58: {  	[sflag:s26] =	ssyncset.done $0x0  }
0x59: {  	[sflag:s26] =	ssyncadd.s32 $0xFFFFC000  }
0x5a: {  	_ =	sfence.sel $0x180000  }
0x5b: {  	[bflag:$0x0] =	sbarrier.arrive $0xFFFF  }
0x5c: {  	_ =	strace $0x90000047  }
0x5d: {  	s0 =	stileid.u32;
	[bflag:$0x2] =	sbarrier.arrive $0xFFFF  }
0x5e: {  	p0 =	sne.s32 s0, $0x0;
	s0 =	rddreg [dreg:$0x3]  }
0x5f: {  	s0 =	sadd.s32 @!p0 $0x100000, s0  }
0x60: {  	[sflag:s0] =	ssyncadd.tile.s32 @!p0 $0x1;
	_ =	shalt  }
.Lfunc_end2:
_tile_overlayer_lowered:
.L_overlay_start_2:
0x61: {  	(tag) =	ssettag $0x2  }
0x62: {  	s0 =	rddreg [dreg:$0x0];
	s2 =	stileid.u32  }
0x63: {  	s1 =	rddreg [dreg:$0x1];
	p0 =	sne.s32 s2, $0x0  }
0x64: {  	s3 =	rddreg [dreg:$0x2];
	[bflag:$0x3] =	sbarrier.arrive $0xFFFF;
	s2 =	simm.s32 @!p0 $0x1C0B  }
0x65: {  	[timem:s3], [sflag:s2] =	dma.local @!p0 [hbm:s0], s1  }
0x66: {  	s0 =	simm.s32 @!p0 $0xB  }
0x67: {  	_ =	swait.ge @!p0 [sflag:s0], s1  }
0x68: {  	s1 =	ssub.s32 @!p0 $0x0, s1;
	[sflag:s0] =	ssyncset.done @!p0 $0x0  }
0x69: {  	[sflag:s0] =	ssyncadd.s32 @!p0 s1  }
0x6a: {  	[bflag:$0x3] =	sbarrier.arrive $0xFFFF  }
0x6b: {  	_ =	shalt  }

</sc_bundles>
